<compile_context>
chip_gen: v7x
topology: tpu7x:2x2x1
jax: 0.10.2.dev20260603
libtpu: 0.0.44.dev20260713+nightly
codegen_flags: <defaults>
</compile_context>

<pallas_src>
import dataclasses
import functools

import jax
import jax.numpy as jnp
from jax import lax
from jax.experimental import pallas as pl
from jax.experimental.pallas import tpu as pltpu
from jax.experimental.pallas import tpu_sc as plsc

B = 16384
U_DIM = 64
I_DIM = 64
N_ACT = 100
VOCAB = 100000
Y_LOW = 0.0
Y_HIGH = 5.5

NC = 2
NS = 16
NW = NC * NS
BPW = B // NW
VL = 16


def _gather_sc(table, x, col):
    mesh = plsc.VectorSubcoreMesh(core_axis_name="c", subcore_axis_name="s")
    cp = pltpu.CompilerParams()
    if "needs_layout_passes" in pltpu.CompilerParams.__dataclass_fields__:
        cp = dataclasses.replace(cp, needs_layout_passes=False)

    @functools.partial(
        pl.kernel,
        mesh=mesh,
        compiler_params=cp,
        out_type=jax.ShapeDtypeStruct((B, 128), jnp.float32),
        scratch_types=[
            pltpu.VMEM((2 * BPW // 128, 128), jnp.int32),
            pltpu.VMEM((BPW,), jnp.int32),
            pltpu.VMEM((BPW // 2, 128), jnp.float32),
            pltpu.SemaphoreType.DMA,
        ],
    )
    def k(t_hbm, x_hbm, g_hbm, x_v, j_v, rows_v, sem):
        wid = lax.axis_index("s") * NC + lax.axis_index("c")
        base = wid * BPW
        xrows = 2 * BPW // 128
        pltpu.sync_copy(x_hbm.at[pl.ds(wid * xrows, xrows)], x_v)

        riota = lax.iota(jnp.int32, VL)

        @pl.loop(0, BPW, step=VL)
        def _(j):
            flat = (riota + j) * 2 + col
            v = plsc.load_gather(
                x_v, [lax.shift_right_logical(flat, 7), flat & 127])
            j_v[pl.ds(j, VL)] = v

        half = BPW // 2
        for c in range(2):
            pltpu.async_copy(
                t_hbm.at[j_v.at[pl.ds(c * half, half)]], rows_v, sem).wait()
            pltpu.sync_copy(rows_v, g_hbm.at[pl.ds(base + c * half, half)])

    return k(table, x)


def _mlp_body(gu_ref, gi_ref, w1u_ref, w1i_ref, b1_ref,
              w2_ref, b2_ref, o_ref):
    u = gu_ref[:, :U_DIM]
    i = gi_ref[:, U_DIM:]
    h = jnp.dot(u, w1u_ref[...], preferred_element_type=jnp.float32)
    h += jnp.dot(i, w1i_ref[...], preferred_element_type=jnp.float32)
    h = jnp.maximum(h + b1_ref[...], 0.0)
    out = jnp.dot(h, w2_ref[...], preferred_element_type=jnp.float32)
    out += b2_ref[...]
    o_ref[...] = jax.nn.sigmoid(out) * (Y_HIGH - Y_LOW) + Y_LOW


def _mlp_tc(gu, gi, W1, b1, W2, b2):
    BM = 2048
    grid = (B // BM,)
    w1u = W1[:U_DIM]
    w1i = W1[U_DIM:]
    b1r = b1.reshape(1, N_ACT)
    b2r = b2.reshape(1, 1)
    return pl.pallas_call(
        _mlp_body,
        grid=grid,
        in_specs=[
            pl.BlockSpec((BM, 128), lambda m: (m, 0)),
            pl.BlockSpec((BM, 128), lambda m: (m, 0)),
            pl.BlockSpec((U_DIM, N_ACT), lambda m: (0, 0)),
            pl.BlockSpec((I_DIM, N_ACT), lambda m: (0, 0)),
            pl.BlockSpec((1, N_ACT), lambda m: (0, 0)),
            pl.BlockSpec((N_ACT, 1), lambda m: (0, 0)),
            pl.BlockSpec((1, 1), lambda m: (0, 0)),
        ],
        out_specs=pl.BlockSpec((BM, 1), lambda m: (m, 0)),
        out_shape=jax.ShapeDtypeStruct((B, 1), jnp.float32),
    )(gu, gi, w1u, w1i, b1r, W2, b2r)


@jax.jit
def kernel(x, user_table, item_table, W1, b1, W2, b2):
    uc = jnp.pad(user_table[:VOCAB], ((0, 0), (0, 64)))
    ic = jnp.pad(item_table, ((0, 0), (64, 0)))
    x_r = x.reshape(2 * B // 128, 128)
    gu = _gather_sc(uc, x_r, 0)
    gi = _gather_sc(ic, x_r, 1)
    return _mlp_tc(gu, gi, W1, b1, W2, b2)

# --- scband reference (transcript-rebuilt; emitter-appended) ---
"""Pipeline reference for scband-collab-nn-49984829391292 (READ-ONLY COPY).

The authoritative reference and input builder live on the scoring server;
editing this copy changes nothing except your own understanding.
"""

import jax, jax.numpy as jnp
import numpy as np

USER_VOCAB = 1000000
ITEM_VOCAB = 100000
U_DIM = 64
I_DIM = 64
N_ACT = 100
B = 16384
Y_LOW = 0.0
Y_HIGH = 5.5


def setup_inputs(seed: int = 0) -> dict:
    key = jax.random.key(seed)
    k1, k2, k3, k4, k5 = jax.random.split(key, 5)
    # indices must be valid for BOTH tables -> bound by min vocab (100000)
    x = jax.random.randint(k1, (B, 2), 0, 100000)
    user_table = jax.random.normal(k2, (USER_VOCAB, U_DIM), dtype=jnp.float32) * 0.01
    item_table = jax.random.normal(k3, (ITEM_VOCAB, I_DIM), dtype=jnp.float32) * 0.01
    W1 = jax.random.normal(k4, (U_DIM + I_DIM, N_ACT), dtype=jnp.float32) * (1.0 / np.sqrt(U_DIM + I_DIM))
    b1 = jnp.zeros((N_ACT,), dtype=jnp.float32)
    W2 = jax.random.normal(k5, (N_ACT, 1), dtype=jnp.float32) * (1.0 / np.sqrt(N_ACT))
    b2 = jnp.zeros((1,), dtype=jnp.float32)
    return {"x": x, "user_table": user_table, "item_table": item_table,
            "W1": W1, "b1": b1, "W2": W2, "b2": b2}


def reference(x, user_table, item_table, W1, b1, W2, b2):
    # embedding lookups (SparseCore-friendly gathers)
    u = jnp.take(user_table, x[:, 0], axis=0)
    i = jnp.take(item_table, x[:, 1], axis=0)
    h = jnp.concatenate([u, i], axis=1)
    h = jnp.maximum(h @ W1 + b1, 0.0)
    out = h @ W2 + b2
    # sigmoid_range(x, low, high)
    return jax.nn.sigmoid(out) * (Y_HIGH - Y_LOW) + Y_LOW

if __name__ == "__main__":
    import jax
    _d = setup_inputs()
    print(jax.jit(kernel)(*tuple(_d.values())))

</pallas_src>

<mosaic_0001>
#map = affine_map<(d0, d1) -> (0, 0)>
module attributes {stable_mosaic.version = 14 : i64} {
  func.func @k(%arg0: i32, %arg1: i32, %arg2: memref<100000x128xf32, #tpu.memory_space<hbm>>, %arg3: memref<256x128xi32, #tpu.memory_space<hbm>>, %arg4: memref<16384x128xf32, #tpu.memory_space<hbm>>, %arg5: memref<8x128xi32, #tpu.memory_space<vmem>>, %arg6: memref<512xi32, #tpu.memory_space<vmem>>, %arg7: memref<256x128xf32, #tpu.memory_space<vmem>>, %arg8: memref<!tpu.dma_semaphore, #tpu.memory_space<semaphore_mem>>) attributes {dimension_semantics = [#tpu.dimension_semantics<core_parallel>, #tpu.dimension_semantics<subcore_parallel>], iteration_bounds = array<i64: 2, 16>, scalar_prefetch = 0 : i64, scratch_operands = 4 : i64, tpu.core_type = #tpu.core_type<sc_vector_subcore>, window_params = [{transform_indices = #map}, {transform_indices = #map}, {transform_indices = #map}]} {
    %mul3A = arith.constant 2 : i32
    %mul3A_0 = arith.muli %arg1, %mul3A : i32
    %add3A = arith.addi %mul3A_0, %arg0 : i32
    %mul3A_1 = arith.constant 512 : i32
    %mul3A_2 = arith.muli %add3A, %mul3A_1 : i32
    %mul3A_3 = arith.constant 8 : i32
    %mul3A_4 = arith.muli %add3A, %mul3A_3 : i32
    "tpu.region"() ({
      %run_scoped3A = tpu.sem_alloc : memref<!tpu.dma_semaphore, #tpu.memory_space<semaphore_mem>>
      %dma_start3A_31 = arith.constant 0 : i32
      %dma_start3A_32 = tpu.memref_slice %arg3[%mul3A_4, %dma_start3A_31] : memref<256x128xi32, #tpu.memory_space<hbm>> -> memref<8x128xi32, #tpu.memory_space<hbm>>
      %dma_start3A_33 = arith.constant 0 : i32
      %dma_start3A_34 = tpu.memref_slice %arg3[%mul3A_4, %dma_start3A_33] : memref<256x128xi32, #tpu.memory_space<hbm>> -> memref<8x128xi32, #tpu.memory_space<hbm>>
      tpu.enqueue_dma source(%dma_start3A_34 : memref<8x128xi32, #tpu.memory_space<hbm>>) target(%arg5 : memref<8x128xi32, #tpu.memory_space<vmem>>) target_semaphore(%run_scoped3A : memref<!tpu.dma_semaphore, #tpu.memory_space<semaphore_mem>>)
      %dma_wait3A_35 = arith.constant 0 : i32
      %dma_wait3A_36 = tpu.memref_slice %arg3[%mul3A_4, %dma_wait3A_35] : memref<256x128xi32, #tpu.memory_space<hbm>> -> memref<8x128xi32, #tpu.memory_space<hbm>>
      %dma_wait3A_37 = arith.constant 0 : i32
      %dma_wait3A_38 = tpu.memref_slice %arg3[%mul3A_4, %dma_wait3A_37] : memref<256x128xi32, #tpu.memory_space<hbm>> -> memref<8x128xi32, #tpu.memory_space<hbm>>
      tpu.wait_dma2 semaphore(%run_scoped3A : memref<!tpu.dma_semaphore, #tpu.memory_space<semaphore_mem>>) src(%dma_wait3A_38 : memref<8x128xi32, #tpu.memory_space<hbm>>) dst(%arg5 : memref<8x128xi32, #tpu.memory_space<vmem>>)
      tpu.yield
    }) : () -> ()
    %iota3A = tpu.iota {dimensions = array<i32: 0>} : vector<16xi32>
    %scan3A = arith.constant 0 : i32
    %scan3A_5 = arith.constant 32 : i32
    %scan3A_6 = arith.addi %scan3A, %scan3A_5 : i32
    %scan3A_7 = arith.constant 1 : i32
    scf.for %scan3A_31 = %scan3A to %scan3A_6 step %scan3A_7  : i32 {
      %mul3A_32 = arith.constant 16 : i32
      %mul3A_33 = arith.muli %scan3A_31, %mul3A_32 : i32
      %add3A_34 = arith.constant 0 : i32
      %add3A_35 = arith.addi %add3A_34, %mul3A_33 : i32
      %add3A_36 = vector.broadcast %add3A_35 : i32 to vector<16xi32>
      %add3A_37 = arith.addi %iota3A, %add3A_36 : vector<16xi32>
      %mul3A_38 = arith.constant 2 : i32
      %mul3A_39 = vector.broadcast %mul3A_38 : i32 to vector<16xi32>
      %mul3A_40 = arith.muli %add3A_37, %mul3A_39 : vector<16xi32>
      %add3A_41 = arith.constant 0 : i32
      %add3A_42 = vector.broadcast %add3A_41 : i32 to vector<16xi32>
      %add3A_43 = arith.addi %mul3A_40, %add3A_42 : vector<16xi32>
      %shift_right_logical3A = arith.constant 7 : i32
      %shift_right_logical3A_44 = vector.broadcast %shift_right_logical3A : i32 to vector<16xi32>
      %shift_right_logical3A_45 = arith.shrui %add3A_43, %shift_right_logical3A_44 : vector<16xi32>
      %and3A = arith.constant 127 : i32
      %and3A_46 = vector.broadcast %and3A : i32 to vector<16xi32>
      %and3A_47 = arith.andi %add3A_43, %and3A_46 : vector<16xi32>
      %gather3A = tpu.vector_load_idx %arg5[%shift_right_logical3A_45, %and3A_47] : memref<8x128xi32, #tpu.memory_space<vmem>>[vector<16xi32>, vector<16xi32>], vector<16xi32>,
      %swap3A = arith.index_cast %add3A_35 : i32 to index
      %swap3A_48 = tpu.vector_load %arg6[%swap3A] {strides = array<i32>} : memref<512xi32, #tpu.memory_space<vmem>>, vector<16xi32>,
      tpu.vector_store %arg6[%swap3A], %gather3A {strides = array<i32>} : memref<512xi32, #tpu.memory_space<vmem>>, vector<16xi32>,
    }
    %scan3A_8 = arith.constant 32 : i32
    %dma_start3A = arith.constant 0 : i32
    %dma_start3A_9 = tpu.memref_slice %arg6[%dma_start3A] : memref<512xi32, #tpu.memory_space<vmem>> -> memref<256xi32, #tpu.memory_space<vmem>>
    %dma_start3A_10 = arith.constant 0 : i32
    %dma_start3A_11 = arith.constant 0 : i32
    %dma_start3A_12 = tpu.memref_slice %arg2[%dma_start3A_10, %dma_start3A_11] : memref<100000x128xf32, #tpu.memory_space<hbm>> -> memref<100000x128xf32, #tpu.memory_space<hbm>>
    tpu.enqueue_indirect_dma source(%dma_start3A_12 : memref<100000x128xf32, #tpu.memory_space<hbm>>) target(%arg7 : memref<256x128xf32, #tpu.memory_space<vmem>>) offsets(%dma_start3A_9 : memref<256xi32, #tpu.memory_space<vmem>>) semaphore(%arg8 : memref<!tpu.dma_semaphore, #tpu.memory_space<semaphore_mem>>)
    %dma_wait3A = arith.constant 0 : i32
    %dma_wait3A_13 = tpu.memref_slice %arg6[%dma_wait3A] : memref<512xi32, #tpu.memory_space<vmem>> -> memref<256xi32, #tpu.memory_space<vmem>>
    %dma_wait3A_14 = arith.constant 0 : i32
    %dma_wait3A_15 = arith.constant 0 : i32
    %dma_wait3A_16 = tpu.memref_slice %arg2[%dma_wait3A_14, %dma_wait3A_15] : memref<100000x128xf32, #tpu.memory_space<hbm>> -> memref<100000x128xf32, #tpu.memory_space<hbm>>
    tpu.wait_indirect_dma semaphore(%arg8 : memref<!tpu.dma_semaphore, #tpu.memory_space<semaphore_mem>>) src(%dma_wait3A_16 : memref<100000x128xf32, #tpu.memory_space<hbm>>) dst(%arg7 : memref<256x128xf32, #tpu.memory_space<vmem>>)
    %add3A_17 = arith.constant 0 : i32
    %add3A_18 = arith.addi %mul3A_2, %add3A_17 : i32
    "tpu.region"() ({
      %run_scoped3A = tpu.sem_alloc : memref<!tpu.dma_semaphore, #tpu.memory_space<semaphore_mem>>
      %dma_start3A_31 = arith.constant 0 : i32
      %dma_start3A_32 = tpu.memref_slice %arg4[%add3A_18, %dma_start3A_31] : memref<16384x128xf32, #tpu.memory_space<hbm>> -> memref<256x128xf32, #tpu.memory_space<hbm>>
      %dma_start3A_33 = arith.constant 0 : i32
      %dma_start3A_34 = tpu.memref_slice %arg4[%add3A_18, %dma_start3A_33] : memref<16384x128xf32, #tpu.memory_space<hbm>> -> memref<256x128xf32, #tpu.memory_space<hbm>>
      tpu.enqueue_dma source(%arg7 : memref<256x128xf32, #tpu.memory_space<vmem>>) target(%dma_start3A_34 : memref<256x128xf32, #tpu.memory_space<hbm>>) target_semaphore(%run_scoped3A : memref<!tpu.dma_semaphore, #tpu.memory_space<semaphore_mem>>)
      %dma_wait3A_35 = arith.constant 0 : i32
      %dma_wait3A_36 = tpu.memref_slice %arg4[%add3A_18, %dma_wait3A_35] : memref<16384x128xf32, #tpu.memory_space<hbm>> -> memref<256x128xf32, #tpu.memory_space<hbm>>
      %dma_wait3A_37 = arith.constant 0 : i32
      %dma_wait3A_38 = tpu.memref_slice %arg4[%add3A_18, %dma_wait3A_37] : memref<16384x128xf32, #tpu.memory_space<hbm>> -> memref<256x128xf32, #tpu.memory_space<hbm>>
      tpu.wait_dma2 semaphore(%run_scoped3A : memref<!tpu.dma_semaphore, #tpu.memory_space<semaphore_mem>>) src(%arg7 : memref<256x128xf32, #tpu.memory_space<vmem>>) dst(%dma_wait3A_38 : memref<256x128xf32, #tpu.memory_space<hbm>>)
      tpu.yield
    }) : () -> ()
    %dma_start3A_19 = arith.constant 256 : i32
    %dma_start3A_20 = tpu.memref_slice %arg6[%dma_start3A_19] : memref<512xi32, #tpu.memory_space<vmem>> -> memref<256xi32, #tpu.memory_space<vmem>>
    %dma_start3A_21 = arith.constant 0 : i32
    %dma_start3A_22 = arith.constant 0 : i32
    %dma_start3A_23 = tpu.memref_slice %arg2[%dma_start3A_21, %dma_start3A_22] : memref<100000x128xf32, #tpu.memory_space<hbm>> -> memref<100000x128xf32, #tpu.memory_space<hbm>>
    tpu.enqueue_indirect_dma source(%dma_start3A_23 : memref<100000x128xf32, #tpu.memory_space<hbm>>) target(%arg7 : memref<256x128xf32, #tpu.memory_space<vmem>>) offsets(%dma_start3A_20 : memref<256xi32, #tpu.memory_space<vmem>>) semaphore(%arg8 : memref<!tpu.dma_semaphore, #tpu.memory_space<semaphore_mem>>)
    %dma_wait3A_24 = arith.constant 256 : i32
    %dma_wait3A_25 = tpu.memref_slice %arg6[%dma_wait3A_24] : memref<512xi32, #tpu.memory_space<vmem>> -> memref<256xi32, #tpu.memory_space<vmem>>
    %dma_wait3A_26 = arith.constant 0 : i32
    %dma_wait3A_27 = arith.constant 0 : i32
    %dma_wait3A_28 = tpu.memref_slice %arg2[%dma_wait3A_26, %dma_wait3A_27] : memref<100000x128xf32, #tpu.memory_space<hbm>> -> memref<100000x128xf32, #tpu.memory_space<hbm>>
    tpu.wait_indirect_dma semaphore(%arg8 : memref<!tpu.dma_semaphore, #tpu.memory_space<semaphore_mem>>) src(%dma_wait3A_28 : memref<100000x128xf32, #tpu.memory_space<hbm>>) dst(%arg7 : memref<256x128xf32, #tpu.memory_space<vmem>>)
    %add3A_29 = arith.constant 256 : i32
    %add3A_30 = arith.addi %mul3A_2, %add3A_29 : i32
    "tpu.region"() ({
      %run_scoped3A = tpu.sem_alloc : memref<!tpu.dma_semaphore, #tpu.memory_space<semaphore_mem>>
      %dma_start3A_31 = arith.constant 0 : i32
      %dma_start3A_32 = tpu.memref_slice %arg4[%add3A_30, %dma_start3A_31] : memref<16384x128xf32, #tpu.memory_space<hbm>> -> memref<256x128xf32, #tpu.memory_space<hbm>>
      %dma_start3A_33 = arith.constant 0 : i32
      %dma_start3A_34 = tpu.memref_slice %arg4[%add3A_30, %dma_start3A_33] : memref<16384x128xf32, #tpu.memory_space<hbm>> -> memref<256x128xf32, #tpu.memory_space<hbm>>
      tpu.enqueue_dma source(%arg7 : memref<256x128xf32, #tpu.memory_space<vmem>>) target(%dma_start3A_34 : memref<256x128xf32, #tpu.memory_space<hbm>>) target_semaphore(%run_scoped3A : memref<!tpu.dma_semaphore, #tpu.memory_space<semaphore_mem>>)
      %dma_wait3A_35 = arith.constant 0 : i32
      %dma_wait3A_36 = tpu.memref_slice %arg4[%add3A_30, %dma_wait3A_35] : memref<16384x128xf32, #tpu.memory_space<hbm>> -> memref<256x128xf32, #tpu.memory_space<hbm>>
      %dma_wait3A_37 = arith.constant 0 : i32
      %dma_wait3A_38 = tpu.memref_slice %arg4[%add3A_30, %dma_wait3A_37] : memref<16384x128xf32, #tpu.memory_space<hbm>> -> memref<256x128xf32, #tpu.memory_space<hbm>>
      tpu.wait_dma2 semaphore(%run_scoped3A : memref<!tpu.dma_semaphore, #tpu.memory_space<semaphore_mem>>) src(%arg7 : memref<256x128xf32, #tpu.memory_space<vmem>>) dst(%dma_wait3A_38 : memref<256x128xf32, #tpu.memory_space<hbm>>)
      tpu.yield
    }) : () -> ()
    return
  }
}

#map = affine_map<(d0, d1) -> (0, 0)>
module attributes {stable_mosaic.version = 14 : i64} {
  func.func @k(%arg0: i32, %arg1: i32, %arg2: memref<100000x128xf32, #tpu.memory_space<hbm>>, %arg3: memref<256x128xi32, #tpu.memory_space<hbm>>, %arg4: memref<16384x128xf32, #tpu.memory_space<hbm>>, %arg5: memref<8x128xi32, #tpu.memory_space<vmem>>, %arg6: memref<512xi32, #tpu.memory_space<vmem>>, %arg7: memref<256x128xf32, #tpu.memory_space<vmem>>, %arg8: memref<!tpu.dma_semaphore, #tpu.memory_space<semaphore_mem>>) attributes {dimension_semantics = [#tpu.dimension_semantics<core_parallel>, #tpu.dimension_semantics<subcore_parallel>], iteration_bounds = array<i64: 2, 16>, scalar_prefetch = 0 : i64, scratch_operands = 4 : i64, tpu.core_type = #tpu.core_type<sc_vector_subcore>, window_params = [{transform_indices = #map}, {transform_indices = #map}, {transform_indices = #map}]} {
    %mul3A = arith.constant 2 : i32
    %mul3A_0 = arith.muli %arg1, %mul3A : i32
    %add3A = arith.addi %mul3A_0, %arg0 : i32
    %mul3A_1 = arith.constant 512 : i32
    %mul3A_2 = arith.muli %add3A, %mul3A_1 : i32
    %mul3A_3 = arith.constant 8 : i32
    %mul3A_4 = arith.muli %add3A, %mul3A_3 : i32
    "tpu.region"() ({
      %run_scoped3A = tpu.sem_alloc : memref<!tpu.dma_semaphore, #tpu.memory_space<semaphore_mem>>
      %dma_start3A_31 = arith.constant 0 : i32
      %dma_start3A_32 = tpu.memref_slice %arg3[%mul3A_4, %dma_start3A_31] : memref<256x128xi32, #tpu.memory_space<hbm>> -> memref<8x128xi32, #tpu.memory_space<hbm>>
      %dma_start3A_33 = arith.constant 0 : i32
      %dma_start3A_34 = tpu.memref_slice %arg3[%mul3A_4, %dma_start3A_33] : memref<256x128xi32, #tpu.memory_space<hbm>> -> memref<8x128xi32, #tpu.memory_space<hbm>>
      tpu.enqueue_dma source(%dma_start3A_34 : memref<8x128xi32, #tpu.memory_space<hbm>>) target(%arg5 : memref<8x128xi32, #tpu.memory_space<vmem>>) target_semaphore(%run_scoped3A : memref<!tpu.dma_semaphore, #tpu.memory_space<semaphore_mem>>)
      %dma_wait3A_35 = arith.constant 0 : i32
      %dma_wait3A_36 = tpu.memref_slice %arg3[%mul3A_4, %dma_wait3A_35] : memref<256x128xi32, #tpu.memory_space<hbm>> -> memref<8x128xi32, #tpu.memory_space<hbm>>
      %dma_wait3A_37 = arith.constant 0 : i32
      %dma_wait3A_38 = tpu.memref_slice %arg3[%mul3A_4, %dma_wait3A_37] : memref<256x128xi32, #tpu.memory_space<hbm>> -> memref<8x128xi32, #tpu.memory_space<hbm>>
      tpu.wait_dma2 semaphore(%run_scoped3A : memref<!tpu.dma_semaphore, #tpu.memory_space<semaphore_mem>>) src(%dma_wait3A_38 : memref<8x128xi32, #tpu.memory_space<hbm>>) dst(%arg5 : memref<8x128xi32, #tpu.memory_space<vmem>>)
      tpu.yield
    }) : () -> ()
    %iota3A = tpu.iota {dimensions = array<i32: 0>} : vector<16xi32>
    %scan3A = arith.constant 0 : i32
    %scan3A_5 = arith.constant 32 : i32
    %scan3A_6 = arith.addi %scan3A, %scan3A_5 : i32
    %scan3A_7 = arith.constant 1 : i32
    scf.for %scan3A_31 = %scan3A to %scan3A_6 step %scan3A_7  : i32 {
      %mul3A_32 = arith.constant 16 : i32
      %mul3A_33 = arith.muli %scan3A_31, %mul3A_32 : i32
      %add3A_34 = arith.constant 0 : i32
      %add3A_35 = arith.addi %add3A_34, %mul3A_33 : i32
      %add3A_36 = vector.broadcast %add3A_35 : i32 to vector<16xi32>
      %add3A_37 = arith.addi %iota3A, %add3A_36 : vector<16xi32>
      %mul3A_38 = arith.constant 2 : i32
      %mul3A_39 = vector.broadcast %mul3A_38 : i32 to vector<16xi32>
      %mul3A_40 = arith.muli %add3A_37, %mul3A_39 : vector<16xi32>
      %add3A_41 = arith.constant 1 : i32
      %add3A_42 = vector.broadcast %add3A_41 : i32 to vector<16xi32>
      %add3A_43 = arith.addi %mul3A_40, %add3A_42 : vector<16xi32>
      %shift_right_logical3A = arith.constant 7 : i32
      %shift_right_logical3A_44 = vector.broadcast %shift_right_logical3A : i32 to vector<16xi32>
      %shift_right_logical3A_45 = arith.shrui %add3A_43, %shift_right_logical3A_44 : vector<16xi32>
      %and3A = arith.constant 127 : i32
      %and3A_46 = vector.broadcast %and3A : i32 to vector<16xi32>
      %and3A_47 = arith.andi %add3A_43, %and3A_46 : vector<16xi32>
      %gather3A = tpu.vector_load_idx %arg5[%shift_right_logical3A_45, %and3A_47] : memref<8x128xi32, #tpu.memory_space<vmem>>[vector<16xi32>, vector<16xi32>], vector<16xi32>,
      %swap3A = arith.index_cast %add3A_35 : i32 to index
      %swap3A_48 = tpu.vector_load %arg6[%swap3A] {strides = array<i32>} : memref<512xi32, #tpu.memory_space<vmem>>, vector<16xi32>,
      tpu.vector_store %arg6[%swap3A], %gather3A {strides = array<i32>} : memref<512xi32, #tpu.memory_space<vmem>>, vector<16xi32>,
    }
    %scan3A_8 = arith.constant 32 : i32
    %dma_start3A = arith.constant 0 : i32
    %dma_start3A_9 = tpu.memref_slice %arg6[%dma_start3A] : memref<512xi32, #tpu.memory_space<vmem>> -> memref<256xi32, #tpu.memory_space<vmem>>
    %dma_start3A_10 = arith.constant 0 : i32
    %dma_start3A_11 = arith.constant 0 : i32
    %dma_start3A_12 = tpu.memref_slice %arg2[%dma_start3A_10, %dma_start3A_11] : memref<100000x128xf32, #tpu.memory_space<hbm>> -> memref<100000x128xf32, #tpu.memory_space<hbm>>
    tpu.enqueue_indirect_dma source(%dma_start3A_12 : memref<100000x128xf32, #tpu.memory_space<hbm>>) target(%arg7 : memref<256x128xf32, #tpu.memory_space<vmem>>) offsets(%dma_start3A_9 : memref<256xi32, #tpu.memory_space<vmem>>) semaphore(%arg8 : memref<!tpu.dma_semaphore, #tpu.memory_space<semaphore_mem>>)
    %dma_wait3A = arith.constant 0 : i32
    %dma_wait3A_13 = tpu.memref_slice %arg6[%dma_wait3A] : memref<512xi32, #tpu.memory_space<vmem>> -> memref<256xi32, #tpu.memory_space<vmem>>
    %dma_wait3A_14 = arith.constant 0 : i32
    %dma_wait3A_15 = arith.constant 0 : i32
    %dma_wait3A_16 = tpu.memref_slice %arg2[%dma_wait3A_14, %dma_wait3A_15] : memref<100000x128xf32, #tpu.memory_space<hbm>> -> memref<100000x128xf32, #tpu.memory_space<hbm>>
    tpu.wait_indirect_dma semaphore(%arg8 : memref<!tpu.dma_semaphore, #tpu.memory_space<semaphore_mem>>) src(%dma_wait3A_16 : memref<100000x128xf32, #tpu.memory_space<hbm>>) dst(%arg7 : memref<256x128xf32, #tpu.memory_space<vmem>>)
    %add3A_17 = arith.constant 0 : i32
    %add3A_18 = arith.addi %mul3A_2, %add3A_17 : i32
    "tpu.region"() ({
      %run_scoped3A = tpu.sem_alloc : memref<!tpu.dma_semaphore, #tpu.memory_space<semaphore_mem>>
      %dma_start3A_31 = arith.constant 0 : i32
      %dma_start3A_32 = tpu.memref_slice %arg4[%add3A_18, %dma_start3A_31] : memref<16384x128xf32, #tpu.memory_space<hbm>> -> memref<256x128xf32, #tpu.memory_space<hbm>>
      %dma_start3A_33 = arith.constant 0 : i32
      %dma_start3A_34 = tpu.memref_slice %arg4[%add3A_18, %dma_start3A_33] : memref<16384x128xf32, #tpu.memory_space<hbm>> -> memref<256x128xf32, #tpu.memory_space<hbm>>
      tpu.enqueue_dma source(%arg7 : memref<256x128xf32, #tpu.memory_space<vmem>>) target(%dma_start3A_34 : memref<256x128xf32, #tpu.memory_space<hbm>>) target_semaphore(%run_scoped3A : memref<!tpu.dma_semaphore, #tpu.memory_space<semaphore_mem>>)
      %dma_wait3A_35 = arith.constant 0 : i32
      %dma_wait3A_36 = tpu.memref_slice %arg4[%add3A_18, %dma_wait3A_35] : memref<16384x128xf32, #tpu.memory_space<hbm>> -> memref<256x128xf32, #tpu.memory_space<hbm>>
      %dma_wait3A_37 = arith.constant 0 : i32
      %dma_wait3A_38 = tpu.memref_slice %arg4[%add3A_18, %dma_wait3A_37] : memref<16384x128xf32, #tpu.memory_space<hbm>> -> memref<256x128xf32, #tpu.memory_space<hbm>>
      tpu.wait_dma2 semaphore(%run_scoped3A : memref<!tpu.dma_semaphore, #tpu.memory_space<semaphore_mem>>) src(%arg7 : memref<256x128xf32, #tpu.memory_space<vmem>>) dst(%dma_wait3A_38 : memref<256x128xf32, #tpu.memory_space<hbm>>)
      tpu.yield
    }) : () -> ()
    %dma_start3A_19 = arith.constant 256 : i32
    %dma_start3A_20 = tpu.memref_slice %arg6[%dma_start3A_19] : memref<512xi32, #tpu.memory_space<vmem>> -> memref<256xi32, #tpu.memory_space<vmem>>
    %dma_start3A_21 = arith.constant 0 : i32
    %dma_start3A_22 = arith.constant 0 : i32
    %dma_start3A_23 = tpu.memref_slice %arg2[%dma_start3A_21, %dma_start3A_22] : memref<100000x128xf32, #tpu.memory_space<hbm>> -> memref<100000x128xf32, #tpu.memory_space<hbm>>
    tpu.enqueue_indirect_dma source(%dma_start3A_23 : memref<100000x128xf32, #tpu.memory_space<hbm>>) target(%arg7 : memref<256x128xf32, #tpu.memory_space<vmem>>) offsets(%dma_start3A_20 : memref<256xi32, #tpu.memory_space<vmem>>) semaphore(%arg8 : memref<!tpu.dma_semaphore, #tpu.memory_space<semaphore_mem>>)
    %dma_wait3A_24 = arith.constant 256 : i32
    %dma_wait3A_25 = tpu.memref_slice %arg6[%dma_wait3A_24] : memref<512xi32, #tpu.memory_space<vmem>> -> memref<256xi32, #tpu.memory_space<vmem>>
    %dma_wait3A_26 = arith.constant 0 : i32
    %dma_wait3A_27 = arith.constant 0 : i32
    %dma_wait3A_28 = tpu.memref_slice %arg2[%dma_wait3A_26, %dma_wait3A_27] : memref<100000x128xf32, #tpu.memory_space<hbm>> -> memref<100000x128xf32, #tpu.memory_space<hbm>>
    tpu.wait_indirect_dma semaphore(%arg8 : memref<!tpu.dma_semaphore, #tpu.memory_space<semaphore_mem>>) src(%dma_wait3A_28 : memref<100000x128xf32, #tpu.memory_space<hbm>>) dst(%arg7 : memref<256x128xf32, #tpu.memory_space<vmem>>)
    %add3A_29 = arith.constant 256 : i32
    %add3A_30 = arith.addi %mul3A_2, %add3A_29 : i32
    "tpu.region"() ({
      %run_scoped3A = tpu.sem_alloc : memref<!tpu.dma_semaphore, #tpu.memory_space<semaphore_mem>>
      %dma_start3A_31 = arith.constant 0 : i32
      %dma_start3A_32 = tpu.memref_slice %arg4[%add3A_30, %dma_start3A_31] : memref<16384x128xf32, #tpu.memory_space<hbm>> -> memref<256x128xf32, #tpu.memory_space<hbm>>
      %dma_start3A_33 = arith.constant 0 : i32
      %dma_start3A_34 = tpu.memref_slice %arg4[%add3A_30, %dma_start3A_33] : memref<16384x128xf32, #tpu.memory_space<hbm>> -> memref<256x128xf32, #tpu.memory_space<hbm>>
      tpu.enqueue_dma source(%arg7 : memref<256x128xf32, #tpu.memory_space<vmem>>) target(%dma_start3A_34 : memref<256x128xf32, #tpu.memory_space<hbm>>) target_semaphore(%run_scoped3A : memref<!tpu.dma_semaphore, #tpu.memory_space<semaphore_mem>>)
      %dma_wait3A_35 = arith.constant 0 : i32
      %dma_wait3A_36 = tpu.memref_slice %arg4[%add3A_30, %dma_wait3A_35] : memref<16384x128xf32, #tpu.memory_space<hbm>> -> memref<256x128xf32, #tpu.memory_space<hbm>>
      %dma_wait3A_37 = arith.constant 0 : i32
      %dma_wait3A_38 = tpu.memref_slice %arg4[%add3A_30, %dma_wait3A_37] : memref<16384x128xf32, #tpu.memory_space<hbm>> -> memref<256x128xf32, #tpu.memory_space<hbm>>
      tpu.wait_dma2 semaphore(%run_scoped3A : memref<!tpu.dma_semaphore, #tpu.memory_space<semaphore_mem>>) src(%arg7 : memref<256x128xf32, #tpu.memory_space<vmem>>) dst(%dma_wait3A_38 : memref<256x128xf32, #tpu.memory_space<hbm>>)
      tpu.yield
    }) : () -> ()
    return
  }
}

module attributes {stable_mosaic.version = 14 : i64} {
  func.func @_mlp_body(%arg0: i32, %arg1: memref<2048x128xf32, #tpu.memory_space<vmem>>, %arg2: memref<2048x128xf32, #tpu.memory_space<vmem>>, %arg3: memref<64x100xf32, #tpu.memory_space<vmem>>, %arg4: memref<64x100xf32, #tpu.memory_space<vmem>>, %arg5: memref<1x100xf32, #tpu.memory_space<vmem>>, %arg6: memref<100x1xf32, #tpu.memory_space<vmem>>, %arg7: memref<1x1xf32, #tpu.memory_space<vmem>>, %arg8: memref<2048x1xf32, #tpu.memory_space<vmem>>) attributes {dimension_semantics = [#tpu.dimension_semantics<arbitrary>], iteration_bounds = array<i64: 8>, scalar_prefetch = 0 : i64, scratch_operands = 0 : i64, tpu.core_type = #tpu.core_type<tc>, window_params = [{transform_indices = @transform_0, window_bounds = array<i64: 2048, 128>}, {transform_indices = @transform_1, window_bounds = array<i64: 2048, 128>}, {pipeline_mode = #tpu.pipeline_mode<synchronous>, transform_indices = @transform_2, window_bounds = array<i64: 64, 100>}, {pipeline_mode = #tpu.pipeline_mode<synchronous>, transform_indices = @transform_3, window_bounds = array<i64: 64, 100>}, {pipeline_mode = #tpu.pipeline_mode<synchronous>, transform_indices = @transform_4, window_bounds = array<i64: 1, 100>}, {pipeline_mode = #tpu.pipeline_mode<synchronous>, transform_indices = @transform_5, window_bounds = array<i64: 100, 1>}, {pipeline_mode = #tpu.pipeline_mode<synchronous>, transform_indices = @transform_6, window_bounds = array<i64: 1, 1>}, {transform_indices = @transform_7, window_bounds = array<i64: 2048, 1>}]} {
    %get3A = arith.constant 0 : index
    %get3A_0 = arith.constant 0 : index
    %get3A_1 = vector.load %arg1[%get3A, %get3A_0] : memref<2048x128xf32, #tpu.memory_space<vmem>>, vector<2048x64xf32>
    %get3A_2 = arith.constant 0 : index
    %get3A_3 = arith.constant 64 : index
    %get3A_4 = vector.load %arg2[%get3A_2, %get3A_3] : memref<2048x128xf32, #tpu.memory_space<vmem>>, vector<2048x64xf32>
    %get3A_5 = arith.constant 0 : index
    %get3A_6 = arith.constant 0 : index
    %get3A_7 = vector.load %arg3[%get3A_5, %get3A_6] : memref<64x100xf32, #tpu.memory_space<vmem>>, vector<64x100xf32>
    %dot_general3A = arith.constant dense<0.000000e+00> : vector<2048x100xf32>
    %dot_general3A_8 = tpu.matmul %get3A_1, %get3A_7, %dot_general3A {dimension_numbers = #tpu.dot_dimension_numbers<[1], [0], [0], [1], [0, 0, 1, 1], [], []>, transpose_lhs_hint = false} : vector<2048x64xf32>, vector<64x100xf32>, vector<2048x100xf32> -> vector<2048x100xf32>
    %get3A_9 = arith.constant 0 : index
    %get3A_10 = arith.constant 0 : index
    %get3A_11 = vector.load %arg4[%get3A_9, %get3A_10] : memref<64x100xf32, #tpu.memory_space<vmem>>, vector<64x100xf32>
    %dot_general3A_12 = arith.constant dense<0.000000e+00> : vector<2048x100xf32>
    %dot_general3A_13 = tpu.matmul %get3A_4, %get3A_11, %dot_general3A_12 {dimension_numbers = #tpu.dot_dimension_numbers<[1], [0], [0], [1], [0, 0, 1, 1], [], []>, transpose_lhs_hint = false} : vector<2048x64xf32>, vector<64x100xf32>, vector<2048x100xf32> -> vector<2048x100xf32>
    %add3A = arith.addf %dot_general3A_8, %dot_general3A_13 : vector<2048x100xf32>
    %get3A_14 = arith.constant 0 : index
    %get3A_15 = arith.constant 0 : index
    %get3A_16 = vector.load %arg5[%get3A_14, %get3A_15] : memref<1x100xf32, #tpu.memory_space<vmem>>, vector<1x100xf32>
    %add3A_17 = vector.broadcast %get3A_16 : vector<1x100xf32> to vector<2048x100xf32>
    %add3A_18 = arith.addf %add3A, %add3A_17 : vector<2048x100xf32>
    %max3A = arith.constant 0.000000e+00 : f32
    %max3A_19 = vector.broadcast %max3A : f32 to vector<2048x100xf32>
    %max3A_20 = arith.maximumf %add3A_18, %max3A_19 : vector<2048x100xf32>
    %get3A_21 = arith.constant 0 : index
    %get3A_22 = arith.constant 0 : index
    %get3A_23 = vector.load %arg6[%get3A_21, %get3A_22] : memref<100x1xf32, #tpu.memory_space<vmem>>, vector<100x1xf32>
    %dot_general3A_24 = arith.constant dense<0.000000e+00> : vector<2048x1xf32>
    %dot_general3A_25 = tpu.matmul %max3A_20, %get3A_23, %dot_general3A_24 {dimension_numbers = #tpu.dot_dimension_numbers<[1], [0], [0], [1], [0, 0, 1, 1], [], []>, transpose_lhs_hint = false} : vector<2048x100xf32>, vector<100x1xf32>, vector<2048x1xf32> -> vector<2048x1xf32>
    %get3A_26 = arith.constant 0 : index
    %get3A_27 = arith.constant 0 : index
    %get3A_28 = vector.load %arg7[%get3A_26, %get3A_27] : memref<1x1xf32, #tpu.memory_space<vmem>>, vector<1x1xf32>
    %add3A_29 = vector.broadcast %get3A_28 : vector<1x1xf32> to vector<2048x1xf32>
    %add3A_30 = arith.addf %dot_general3A_25, %add3A_29 : vector<2048x1xf32>
    %logistic3A = arith.negf %add3A_30 : vector<2048x1xf32>
    %logistic3A_31 = math.exp %logistic3A : vector<2048x1xf32>
    %logistic3A_32 = arith.constant 1.000000e+00 : f32
    %logistic3A_33 = vector.broadcast %logistic3A_32 : f32 to vector<2048x1xf32>
    %logistic3A_34 = arith.addf %logistic3A_33, %logistic3A_31 : vector<2048x1xf32>
    %logistic3A_35 = arith.divf %logistic3A_33, %logistic3A_34 : vector<2048x1xf32>
    %mul3A = arith.constant 5.500000e+00 : f32
    %mul3A_36 = vector.broadcast %mul3A : f32 to vector<2048x1xf32>
    %mul3A_37 = arith.mulf %logistic3A_35, %mul3A_36 : vector<2048x1xf32>
    %add3A_38 = arith.constant 0.000000e+00 : f32
    %add3A_39 = vector.broadcast %add3A_38 : f32 to vector<2048x1xf32>
    %add3A_40 = arith.addf %mul3A_37, %add3A_39 : vector<2048x1xf32>
    %swap3A = arith.constant 0 : index
    %swap3A_41 = arith.constant 0 : index
    %swap3A_42 = vector.load %arg8[%swap3A, %swap3A_41] : memref<2048x1xf32, #tpu.memory_space<vmem>>, vector<2048x1xf32>
    tpu.vector_store %arg8[%swap3A, %swap3A_41], %add3A_40 {strides = array<i32>} : memref<2048x1xf32, #tpu.memory_space<vmem>>, vector<2048x1xf32>,
    return
  }
  func.func @transform_0(%arg0: i32) -> (i32, i32) {
    %c0_i32 = arith.constant 0 : i32
    %c0_i32_0 = arith.constant 0 : i32
    return %arg0, %c0_i32 : i32, i32
  }
  func.func @transform_1(%arg0: i32) -> (i32, i32) {
    %c0_i32 = arith.constant 0 : i32
    %c0_i32_0 = arith.constant 0 : i32
    return %arg0, %c0_i32 : i32, i32
  }
  func.func @transform_2(%arg0: i32) -> (i32, i32) {
    %c0_i32 = arith.constant 0 : i32
    %c0_i32_0 = arith.constant 0 : i32
    %c0_i32_1 = arith.constant 0 : i32
    return %c0_i32, %c0_i32_0 : i32, i32
  }
  func.func @transform_3(%arg0: i32) -> (i32, i32) {
    %c0_i32 = arith.constant 0 : i32
    %c0_i32_0 = arith.constant 0 : i32
    %c0_i32_1 = arith.constant 0 : i32
    return %c0_i32, %c0_i32_0 : i32, i32
  }
  func.func @transform_4(%arg0: i32) -> (i32, i32) {
    %c0_i32 = arith.constant 0 : i32
    %c0_i32_0 = arith.constant 0 : i32
    %c0_i32_1 = arith.constant 0 : i32
    return %c0_i32, %c0_i32_0 : i32, i32
  }
  func.func @transform_5(%arg0: i32) -> (i32, i32) {
    %c0_i32 = arith.constant 0 : i32
    %c0_i32_0 = arith.constant 0 : i32
    %c0_i32_1 = arith.constant 0 : i32
    return %c0_i32, %c0_i32_0 : i32, i32
  }
  func.func @transform_6(%arg0: i32) -> (i32, i32) {
    %c0_i32 = arith.constant 0 : i32
    %c0_i32_0 = arith.constant 0 : i32
    %c0_i32_1 = arith.constant 0 : i32
    return %c0_i32, %c0_i32_0 : i32, i32
  }
  func.func @transform_7(%arg0: i32) -> (i32, i32) {
    %c0_i32 = arith.constant 0 : i32
    %c0_i32_0 = arith.constant 0 : i32
    return %arg0, %c0_i32 : i32, i32
  }
}

</mosaic_0001>

<sc_bundles>
// kernel: kernel.5.cloned.1.call-start
scs
__scs_entry_jumppad:
0x0: {  	(pc) =	sbr.rel $0x88, $3  }
0x1: {  	(tag) =	ssettag $0x0;
	lr =	simm.s32 $0x1  }
0x2: {  	[smem:$0x3F9A] =	sst lr;
	_ =	strace $0xD0000000  }
0x3: {  	_ = 	snop  }
0x4: {  	_ = 	snop  }
0x5: {  	_ = 	snop  }
0x6: {  	_ = 	snop  }
0x7: {  	_ = 	snop  }
__scs_overlays_trampoline_lowered:
0x8: {  	[smem:$0x3FA9] =	sst s0  }
0x9: {  	[smem:$0x3FAA] =	sst s1  }
0xa: {  	[smem:$0x3FAB] =	sst s2  }
0xb: {  	[smem:$0x3FAC] =	sst s3  }
0xc: {  	[smem:$0x3FAD] =	sst s4  }
0xd: {  	[smem:$0x3FAE] =	sst s5  }
0xe: {  	[smem:$0x3FAF] =	sst s6  }
0xf: {  	[smem:$0x3FB0] =	sst s7  }
0x10: {  	[smem:$0x3FB1] =	sst s8  }
0x11: {  	[smem:$0x3FB2] =	sst s9;
	s0 =	simm.s32 @!p0 $0x0  }
0x12: {  	s1 =	sld [smem:$0x3F98];
	s0 =	simm.s32 @p0 $0x1  }
0x13: {  	[smem:$0x3FB3] =	sst s0;
	s0 =	simm.s32 @!p1 $0x0  }
0x14: {  	s2 =	sld [smem:$0x3F97];
	s0 =	simm.s32 @p1 $0x1  }
0x15: {  	[smem:$0x3FB4] =	sst s0;
	s0 =	simm.s32 @!p2 $0x0  }
0x16: {  	s3 =	sld [smem:$0x3FDB];
	s0 =	simm.s32 @p2 $0x1  }
0x17: {  	s4 =	simm.s32 $0x1BF5;
	[smem:$0x3FB6] =	sst s0  }
0x18: {  	s0 =	sld [smem:$0x3F99];
	_ =	swait.ge [sflag:s4], $0x0  }
0x19: {  	s7 =	sld [smem:$0x3F9A]  }
0x1a: {  	s8 =	sadd.s32 $0xFFFFE003, lr  }
0x1b: {  	s9 =	sadd.s32 $0xFFFFFEF7, lr;
	s5 =	simm.s32 $0xFFFFFFFF;
	p2 =	slt.u32 s8, $0xFFFFF086  }
0x1c: {  	p1 =	slt.u32 s9, $0xF7A;
	s5 =	simm.s32 @!p2 $0x0  }
0x1d: {  	s5 =	simm.s32 @p1 $0x1;
	p0 =	seq.s32 s7, s2  }
0x1e: {  	s7 =	smul.u32 @!p0 $0xF7A, s2;
	p2 =	seq.s32 @!p0 s5, $0x0  }
0x1f: {  	s9 =	smul.u32 $0xF7A, s1;
	s8 =	simm.s32 @!p0 $0x1BF5;
	p2 =	por !p2, p0  }
0x20: {  	[sflag:s8] =	ssyncset.s32 @!p0 $0xFFFFF086;
	s6 =	sadd.s32 @!p0 s3, s7;
	s7 =	simm.s32 @!p0 $0x108  }
0x21: {  	s3 =	sadd.s32 s3, s9;
	s6 =	sadd.s32 @!p0 $0x88, s6;
	s7 =	simm.s32 @p2 $0x1082  }
0x22: {  	[simem:s7], [sflag:s8] =	dma.local @!p0 [hbm:s6], $0xF7A  }
0x23: {  	s9 =	sor.u32 $0xD0000000, s2;
	s6 =	simm.s32 $0x108;
	_ =	swait.ge @!p0 [sflag:s8], $0x0  }
0x24: {  	s3 =	sadd.s32 $0x88, s3;
	s6 =	simm.s32 @!p1 $0x1082;
	[sflag:s4] =	ssyncset.s32 $0xFFFFF086  }
0x25: {  	[simem:s6], [sflag:s4] =	dma.local [hbm:s3], $0xF7A  }
0x26: {  	[smem:$0x3F9A] =	sst s1;
	(tag) =	ssettag s2;
	_ =	strace s9  }
0x27: {  	s1 =	sld [smem:$0x3FAA]  }
0x28: {  	s2 =	sld [smem:$0x3FAB]  }
0x29: {  	s4 =	sld [smem:$0x3FAD]  }
0x2a: {  	p0 =	seq.s32 s5, $0x0;
	s5 =	sld [smem:$0x3FAE]  }
0x2b: {  	s6 =	sld [smem:$0x3FAF]  }
0x2c: {  	s7 =	sld [smem:$0x3FB0]  }
0x2d: {  	s3 =	simm.s32 $0x108;
	s8 =	sld [smem:$0x3FB1]  }
0x2e: {  	s3 =	simm.s32 @!p0 $0x1082;
	s9 =	sld [smem:$0x3FB2]  }
0x2f: {  	lr =	sadd.s32 s0, s3;
	s0 =	sld [smem:$0x3FA9]  }
0x30: {  	s3 =	sld [smem:$0x3FAC]  }
0x31: {  	[smem:$0x3FB5] =	sst s10  }
0x32: {  	s10 =	sld [smem:$0x3FB3];
	_ =	sdelay $0x3  }
0x33: {  	p0 =	seq.s32 s10, $0x1;
	s10 =	sld [smem:$0x3FB5];
	_ =	sdelay $0x3  }
0x34: {  	[smem:$0x3FB5] =	sst s10  }
0x35: {  	s10 =	sld [smem:$0x3FB4];
	_ =	sdelay $0x3  }
0x36: {  	p1 =	seq.s32 s10, $0x1;
	s10 =	sld [smem:$0x3FB5];
	_ =	sdelay $0x3  }
0x37: {  	[smem:$0x3FB5] =	sst s10  }
0x38: {  	s10 =	sld [smem:$0x3FB6]  }
0x39: {  	_ = 	snop;
	(pc) =	sbr.ind lr, $3  }
0x3a: {  	_ = 	snop  }
0x3b: {  	_ = 	snop  }
0x3c: {  	p2 =	seq.s32 s10, $0x1;
	s10 =	sld [smem:$0x3FB5]  }
0x3d: {  	_ =	shalt  }
0x3e: {  	_ =	shalt  }
0x3f: {  	_ =	shalt  }
0x40: {  	_ =	shalt  }
0x41: {  	_ =	shalt  }
0x42: {  	_ =	shalt  }
0x43: {  	_ =	shalt  }
0x44: {  	_ =	shalt  }
0x45: {  	_ =	shalt  }
0x46: {  	_ =	shalt  }
0x47: {  	_ =	shalt  }
0x48: {  	_ =	shalt  }
0x49: {  	_ =	shalt  }
0x4a: {  	_ =	shalt  }
0x4b: {  	_ =	shalt  }
0x4c: {  	_ =	shalt  }
0x4d: {  	_ =	shalt  }
0x4e: {  	_ =	shalt  }
0x4f: {  	_ =	shalt  }
0x50: {  	_ =	shalt  }
0x51: {  	_ =	shalt  }
0x52: {  	_ =	shalt  }
0x53: {  	_ =	shalt  }
0x54: {  	_ =	shalt  }
0x55: {  	_ =	shalt  }
0x56: {  	_ =	shalt  }
0x57: {  	_ =	shalt  }
0x58: {  	_ =	shalt  }
0x59: {  	_ =	shalt  }
0x5a: {  	_ =	shalt  }
0x5b: {  	_ =	shalt  }
0x5c: {  	_ =	shalt  }
0x5d: {  	_ =	shalt  }
0x5e: {  	_ =	shalt  }
0x5f: {  	_ =	shalt  }
0x60: {  	_ =	shalt  }
0x61: {  	_ =	shalt  }
0x62: {  	_ =	shalt  }
0x63: {  	_ =	shalt  }
0x64: {  	_ =	shalt  }
0x65: {  	_ =	shalt  }
0x66: {  	_ =	shalt  }
0x67: {  	_ =	shalt  }
0x68: {  	_ =	shalt  }
0x69: {  	_ =	shalt  }
0x6a: {  	_ =	shalt  }
0x6b: {  	_ =	shalt  }
0x6c: {  	_ =	shalt  }
0x6d: {  	_ =	shalt  }
0x6e: {  	_ =	shalt  }
0x6f: {  	_ =	shalt  }
0x70: {  	_ =	shalt  }
0x71: {  	_ =	shalt  }
0x72: {  	_ =	shalt  }
0x73: {  	_ =	shalt  }
0x74: {  	_ =	shalt  }
0x75: {  	_ =	shalt  }
0x76: {  	_ =	shalt  }
0x77: {  	_ =	shalt  }
0x78: {  	_ =	shalt  }
0x79: {  	_ =	shalt  }
0x7a: {  	_ =	shalt  }
0x7b: {  	_ =	shalt  }
0x7c: {  	_ =	shalt  }
0x7d: {  	_ =	shalt  }
0x7e: {  	_ =	shalt  }
0x7f: {  	_ =	shalt  }
0x80: {  	_ =	shalt  }
0x81: {  	_ =	shalt  }
0x82: {  	_ =	shalt  }
0x83: {  	_ =	shalt  }
0x84: {  	_ =	shalt  }
0x85: {  	_ =	shalt  }
0x86: {  	_ =	shalt  }
0x87: {  	_ =	shalt  }
.Lfunc_end0:
.L_simem_size_0:
called_computation_lowered:
.L_overlay_start_0:
0x88: {  	s2 =	sld [smem:$0x3FD9]  }
0x89: {  	s3 =	sld [smem:$0x3FFE];
	_ =	sdelay $0x1  }
0x8a: {  	s1 =	srdreg.scid  }
0x8b: {  	s0 =	sand.u32 $0x1, s1  }
0x8c: {  	s16 =	sshll.u32 s0, $0xA;
	s2 =	sadd.s32 s3, s2  }
0x8d: {  	s2 =	sadd.s32 s2, s16  }
0x8e: {  	[smem:$0x3FC1] =	sst s2  }
0x8f: {  	_ = 	snop  }
0x90: {  	(tm) =	ssettm $0x1  }
0x91: {  	s17 =	sld [smem:$0x3FFB];
	_ =	sdelay $0x3  }
0x92: {  	_ =	strace s17  }
0x93: {  	s2 =	sld [smem:$0x3FFC];
	_ =	sdelay $0x3  }
0x94: {  	_ =	strace s2  }
0x95: {  	s2 =	sld [smem:$0x3FFD];
	_ =	sdelay $0x3  }
0x96: {  	_ =	strace s2  }
0x97: {  	_ =	strace $0x8FFFFFFF  }
0x98: {  	s18 =	sld [smem:$0x3FDB];
	_ =	sdelay $0x1  }
0x99: {  	s19 =	simm.s32 $_scs_section_size  }
0x9a: {  	s4 =	simm.s32 $_size__tile_overlayer_lowered;
	s5 =	simm.s32 $_tile_overlayer_lowered  }
0x9b: {  	s22 =	simm.s32 $0x1BFF;
	s21 =	sshll.u32 s5, $0x1;
	s2 =	sadd.s32 s19, s18  }
0x9c: {  	s6 =	simm.s32 $0x0;
	s20 =	sshll.u32 s4, $0x1;
	s4 =	sadd.s32 s21, s2  }
0x9d: {  	[timem:s6], [sflag:s22] =	dma.local [hbm:s4], s20  }
0x9e: {  	_ =	swait.ge [sflag:s22], s20  }
0x9f: {  	s3 =	ssub.s32 $0x0, s20;
	[sflag:s22] =	ssyncset.done $0x0  }
0xa0: {  	[sflag:s22] =	ssyncadd.s32 s3;
	_ =	sdelay $0x1  }
0xa1: {  	s23 =	simm.s32 $0x1B8B  }
0xa2: {  	_ =	swait.ge [sflag:s23], $0x1  }
0xa3: {  	[sflag:s23] =	ssyncset.done $0x0  }
0xa4: {  	s25 =	simm.s32 $0x1B8E;
	s24 =	sld [smem:$0x3FFE];
	[sflag:s23] =	ssyncadd.s32 $0xFFFFFFFF  }
0xa5: {  	s26 =	simm.s32 $execute0_lowered;
	[smem:$0x3FD2] =	sst s25  }
0xa6: {  	s4 =	sshll.u32 s26, $0x1;
	_ =	strace $0x80000046;
	[dreg:$0x1] =	wrdreg $0xFFFFFFFF  }
0xa7: {  	s28 =	simm.s32 $_size_execute0_lowered;
	s2 =	sadd.s32 s2, s4;
	[dreg:$0x0] =	wrdreg $0x0  }
0xa8: {  	s4 =	sshll.u32 s28, $0x1;
	[dreg:$0x2] =	wrdreg s2  }
0xa9: {  	[dreg:$0x3] =	wrdreg s4  }
0xaa: {  	[dreg:$0x4] =	wrdreg $0xC0  }
0xab: {  	_ =	task [dreg:s6], $0x5FFFF  }
0xac: {  	[dreg:$0x1] =	wrdreg $0xFFFFFFFF  }
0xad: {  	[dreg:$0x0] =	wrdreg $0x60  }
0xae: {  	[dreg:$0x2] =	wrdreg s24  }
0xaf: {  	[dreg:$0x3] =	wrdreg $0x9  }
0xb0: {  	_ =	task.clear_ibuf [dreg:s6], $0x4FFFF;
	_ =	strace $0x90000046  }
0xb1: {  	s29 =	simm.s32 $0x9;
	_ =	strace $0x80000048  }
0xb2: {  	_ =	swait.ge [sflag:s29], $0x1  }
0xb3: {  	[sflag:s29] =	ssyncadd.s32 $0xFFFFFFFF  }
0xb4: {  	_ =	strace $0x90000048  }
0xb5: {  	_ =	sfence  }
0xb6: {  	s30 =	sld [smem:$0x0];
	_ =	sdelay $0x2  }
0xb7: {  	s31 =	sshll.u32 s1, $0xD;
	s1 =	sshrl.u32 s1, $0x2  }
0xb8: {  	s3 =	sand.u32 $0x4000, s31;
	s1 =	sadd.s32 s1, s30  }
0xb9: {  	s0 =	sor.u32 s3, s0;
	s1 =	sshll.u32 s1, $0x11  }
0xba: {  	s0 =	sor.u32 s1, s0  }
0xbb: {  	s0 =	sadd.s32 $0x8F2B, s0  }
0xbc: {  	[sflag:s0] =	ssyncadd.remote.s32 $0x1  }
0xbd: {  	_ =	sfence.sel $0xFFFF  }
0xbe: {  	[dreg:$0x0] =	wrdreg $0xFFFFFFFF;
	(pc) =	sbr.abs _section_cstart, $3  }
0xbf: {  	[dreg:$0x1] =	wrdreg $0xFFFFFFFF  }
0xc0: {  	_ =	task.clear_ibuf [dreg:s6], $0x2FFFF;
	_ =	strace $0x9FFFFFFF  }
0xc1: {  	(tm) =	ssettm $0x7FFFFFFF  }
tec
execute0_lowered:
.L_overlay_start_1:
0x0: {  	(tag) =	ssettag $0x1  }
0x1: {  	s4 =	rddreg [dreg:$0x0]  }
0x2: {  	s0 =	rddreg [dreg:$0x1]  }
0x3: {  	s2 =	simm.s32 $0x0;
	s3 =	srdreg.scid;
	s1 =	stileid.u32  }
0x4: {  	s9 =	simm.s32 $0x100;
	s10 =	simm.s32 $0x400;
	s11 =	simm.s32 $0x600  }
0x5: {  	s12 =	simm.s32 $0x1;
	s13 =	simm.s32 $0x500;
	s14 =	simm.s32 $0x0  }
0x6: {  	[smem:$0x7FF] =	sst s2;
	s5 =	sand.u32 $0x1, s3;
	s6 =	sshll.u32 s1, $0x1  }
0x7: {  	s3 =	sadd.s32 $0x18AC00, s4;
	_ =	strace $0x80000047;
	s6 =	sor.u32 s5, s6  }
0x8: {  	s5 =	ssub.s32 $0x2, s5;
	s7 =	sshll.u32 s6, $0x7;
	s6 =	sshll.u32 s6, $0xD  }
0x9: {  	s31 =	sshrl.u32 s5, $0x1;
	s7 =	sadd.s32 s7, s4;
	s6 =	sadd.s32 s6, s4  }
0xa: {  	v0 =	vlaneseq.u32;
	s8 =	ssub.s32 s5, s31;
	s4 =	sadd.s32 $0x3200, s7;
	s5 =	sadd.s32 $0x4200, s6  }
0xb: {  	v0 =	vmul.u32 $0x2, v0;
	s6 =	sadd.s32 $0x5200, s6;
	s7 =	smax.u32 s8, $0x1;
	s8 =	simm.s32 $0x2  }
.LBB2_1:
0xc: {  	v1 =	vmov s2  }
0xd: {  	v1 =	vshll.u32 v1, $0x1  }
0xe: {  	v1 =	vor.u32 v0, v1  }
0xf: {  	[tilespmem:s2], [sflag:$0x2] =	stream.linear.gather [hbm4b:s4+s2], $0x400, $0x38;
	[tilespmem:$0x8600] =	vst v63  }
0x10: {  	_ =	swait.ge [sflag:s8], $0x400  }
0x11: {  	s15 =	simm.s32 $0x10;
	[sflag:s8] =	ssyncset.done $0x0  }
0x12: {  	v2 =	vmov s15;
	[sflag:s8] =	ssyncadd.s32 $0xFFFFFC00  }
0x13: {  	v2 =	vshll.u32 v2, $0x1;
	v1 =	vld.idx.msk [tilespmem:v1+s2+$0x0], $0xffff  }
0x14: {  	v3 =	vor.u32 v0, v2;
	_ =	sdelay $0x3  }
0x15: {  	s31 =	simm.s32 $0x20;
	[tilespmem:s10+$0x0] =	vst v1  }
0x16: {  	s16 =	simm.s32 $0x30;
	s15 =	simm.s32 $0x400;
	v2 =	vmov s31;
	v1 =	vld.idx.msk [tilespmem:v3+s2+$0x0], $0xffff  }
.LBB2_2:
0x17: {  	p0 =	sne.s32 s16, $0x1F0;
	v2 =	vshll.u32 v2, $0x1  }
0x18: {  	v3 =	vor.u32 v0, v2  }
.Ltmp0:
0x19: {  	(pc) =	sbr.rel @p0 .LBB2_2-.Ltmp0, $4  }
0x1a: {  	_ = 	snop  }
0x1b: {  	s15 =	sadd.s32 $0x10, s15  }
0x1c: {  	[tilespmem:s15+$0x0] =	vst v1  }
0x1d: {  	v2 =	vmov s16;
	s16 =	sadd.s32 $0x10, s16;
	v1 =	vld.idx.msk [tilespmem:v3+s2+$0x0], $0xffff  }
0x1e: {  	v2 =	vshll.u32 v2, $0x1  }
0x1f: {  	v2 =	vor.u32 v0, v2;
	_ =	sdelay $0x2  }
0x20: {  	s15 =	sadd.s32 $0x10, s15  }
0x21: {  	[tilespmem:s15+$0x0] =	vst v1  }
0x22: {  	v1 =	vld.idx.msk [tilespmem:v2+s2+$0x0], $0xffff;
	_ =	sdelay $0x3  }
0x23: {  	s15 =	sadd.s32 $0x10, s15  }
0x24: {  	[tilespmem:s15+$0x0] =	vst v1  }
0x25: {  	[tilespmem:s11], [sflag:$0x1] =	stream.indirect.gather [hbm4b:s3+s9], $0x80, s10, s9, $0xb8;
	[tilespmem:$0x8600] =	vst v63  }
0x26: {  	_ =	swait.ge [sflag:s12], $0x8000  }
0x27: {  	[sflag:s12] =	ssyncset.done $0x0  }
0x28: {  	[sflag:s12] =	ssyncadd.s32 $0xFFFF8000  }
0x29: {  	[hbm4b:s5+s2] =	stream.linear.scatter [tilespmem:s11], [sflag:$0x2], $0x8000, $0x38;
	[tilespmem:$0x8600] =	vst v63  }
0x2a: {  	_ =	swait.ge [sflag:s8], $0x8000  }
0x2b: {  	[sflag:s8] =	ssyncset.done $0x0  }
0x2c: {  	[sflag:s8] =	ssyncadd.s32 $0xFFFF8000  }
0x2d: {  	[tilespmem:s11], [sflag:$0x1] =	stream.indirect.gather [hbm4b:s3+s9], $0x80, s13, s9, $0xb8;
	[tilespmem:$0x8600] =	vst v63  }
0x2e: {  	s14 =	sadd.s32 $0x1, s14;
	_ =	swait.ge [sflag:s12], $0x8000  }
0x2f: {  	p0 =	sne.s32 s14, s7;
	[sflag:s12] =	ssyncset.done $0x0  }
.Ltmp1:
0x30: {  	[sflag:s12] =	ssyncadd.s32 $0xFFFF8000;
	(pc) =	sbr.rel @p0 .LBB2_1-.Ltmp1, $4  }
0x31: {  	[hbm4b:s6+s2] =	stream.linear.scatter [tilespmem:s11], [sflag:$0x2], $0x8000, $0x38;
	[tilespmem:$0x8600] =	vst v63  }
0x32: {  	_ =	swait.ge [sflag:s8], $0x8000  }
0x33: {  	[sflag:s8] =	ssyncset.done $0x0  }
0x34: {  	[sflag:s8] =	ssyncadd.s32 $0xFFFF8000  }
0x35: {  	_ =	sfence.sel $0x180000  }
0x36: {  	[bflag:$0x0] =	sbarrier.arrive $0xFFFF  }
0x37: {  	p0 =	sne.s32 s1, $0x0;
	_ =	strace $0x90000047  }
0x38: {  	s0 =	sadd.s32 @!p0 $0x100000, s0;
	[bflag:$0x2] =	sbarrier.arrive $0xFFFF  }
0x39: {  	[sflag:s0] =	ssyncadd.tile.s32 @!p0 $0x1;
	_ =	shalt  }
.Lfunc_end2:
_tile_overlayer_lowered:
.L_overlay_start_2:
0x3a: {  	(tag) =	ssettag $0x2  }
0x3b: {  	s0 =	rddreg [dreg:$0x0];
	s2 =	stileid.u32  }
0x3c: {  	s1 =	rddreg [dreg:$0x1];
	p0 =	sne.s32 s2, $0x0  }
0x3d: {  	s3 =	rddreg [dreg:$0x2];
	[bflag:$0x3] =	sbarrier.arrive $0xFFFF;
	s2 =	simm.s32 @!p0 $0x1C02  }
0x3e: {  	[timem:s3], [sflag:s2] =	dma.local @!p0 [hbm:s0], s1  }
0x3f: {  	s0 =	simm.s32 @!p0 $0x2  }
0x40: {  	_ =	swait.ge @!p0 [sflag:s0], s1  }
0x41: {  	s1 =	ssub.s32 @!p0 $0x0, s1;
	[sflag:s0] =	ssyncset.done @!p0 $0x0  }
0x42: {  	[sflag:s0] =	ssyncadd.s32 @!p0 s1  }
0x43: {  	[bflag:$0x3] =	sbarrier.arrive $0xFFFF  }
0x44: {  	_ =	shalt  }

// kernel: kernel.8.cloned.1.call-start
scs
__scs_entry_jumppad:
0x0: {  	(pc) =	sbr.rel $0x88, $3  }
0x1: {  	(tag) =	ssettag $0x0;
	lr =	simm.s32 $0x1  }
0x2: {  	[smem:$0x3F9A] =	sst lr;
	_ =	strace $0xD0000000  }
0x3: {  	_ = 	snop  }
0x4: {  	_ = 	snop  }
0x5: {  	_ = 	snop  }
0x6: {  	_ = 	snop  }
0x7: {  	_ = 	snop  }
__scs_overlays_trampoline_lowered:
0x8: {  	[smem:$0x3FA9] =	sst s0  }
0x9: {  	[smem:$0x3FAA] =	sst s1  }
0xa: {  	[smem:$0x3FAB] =	sst s2  }
0xb: {  	[smem:$0x3FAC] =	sst s3  }
0xc: {  	[smem:$0x3FAD] =	sst s4  }
0xd: {  	[smem:$0x3FAE] =	sst s5  }
0xe: {  	[smem:$0x3FAF] =	sst s6  }
0xf: {  	[smem:$0x3FB0] =	sst s7  }
0x10: {  	[smem:$0x3FB1] =	sst s8  }
0x11: {  	[smem:$0x3FB2] =	sst s9;
	s0 =	simm.s32 @!p0 $0x0  }
0x12: {  	s1 =	sld [smem:$0x3F98];
	s0 =	simm.s32 @p0 $0x1  }
0x13: {  	[smem:$0x3FB3] =	sst s0;
	s0 =	simm.s32 @!p1 $0x0  }
0x14: {  	s2 =	sld [smem:$0x3F97];
	s0 =	simm.s32 @p1 $0x1  }
0x15: {  	[smem:$0x3FB4] =	sst s0;
	s0 =	simm.s32 @!p2 $0x0  }
0x16: {  	s3 =	sld [smem:$0x3FDB];
	s0 =	simm.s32 @p2 $0x1  }
0x17: {  	s4 =	simm.s32 $0x1BF5;
	[smem:$0x3FB6] =	sst s0  }
0x18: {  	s0 =	sld [smem:$0x3F99];
	_ =	swait.ge [sflag:s4], $0x0  }
0x19: {  	s7 =	sld [smem:$0x3F9A]  }
0x1a: {  	s8 =	sadd.s32 $0xFFFFE003, lr  }
0x1b: {  	s9 =	sadd.s32 $0xFFFFFEF7, lr;
	s5 =	simm.s32 $0xFFFFFFFF;
	p2 =	slt.u32 s8, $0xFFFFF086  }
0x1c: {  	p1 =	slt.u32 s9, $0xF7A;
	s5 =	simm.s32 @!p2 $0x0  }
0x1d: {  	s5 =	simm.s32 @p1 $0x1;
	p0 =	seq.s32 s7, s2  }
0x1e: {  	s7 =	smul.u32 @!p0 $0xF7A, s2;
	p2 =	seq.s32 @!p0 s5, $0x0  }
0x1f: {  	s9 =	smul.u32 $0xF7A, s1;
	s8 =	simm.s32 @!p0 $0x1BF5;
	p2 =	por !p2, p0  }
0x20: {  	[sflag:s8] =	ssyncset.s32 @!p0 $0xFFFFF086;
	s6 =	sadd.s32 @!p0 s3, s7;
	s7 =	simm.s32 @!p0 $0x108  }
0x21: {  	s3 =	sadd.s32 s3, s9;
	s6 =	sadd.s32 @!p0 $0x88, s6;
	s7 =	simm.s32 @p2 $0x1082  }
0x22: {  	[simem:s7], [sflag:s8] =	dma.local @!p0 [hbm:s6], $0xF7A  }
0x23: {  	s9 =	sor.u32 $0xD0000000, s2;
	s6 =	simm.s32 $0x108;
	_ =	swait.ge @!p0 [sflag:s8], $0x0  }
0x24: {  	s3 =	sadd.s32 $0x88, s3;
	s6 =	simm.s32 @!p1 $0x1082;
	[sflag:s4] =	ssyncset.s32 $0xFFFFF086  }
0x25: {  	[simem:s6], [sflag:s4] =	dma.local [hbm:s3], $0xF7A  }
0x26: {  	[smem:$0x3F9A] =	sst s1;
	(tag) =	ssettag s2;
	_ =	strace s9  }
0x27: {  	s1 =	sld [smem:$0x3FAA]  }
0x28: {  	s2 =	sld [smem:$0x3FAB]  }
0x29: {  	s4 =	sld [smem:$0x3FAD]  }
0x2a: {  	p0 =	seq.s32 s5, $0x0;
	s5 =	sld [smem:$0x3FAE]  }
0x2b: {  	s6 =	sld [smem:$0x3FAF]  }
0x2c: {  	s7 =	sld [smem:$0x3FB0]  }
0x2d: {  	s3 =	simm.s32 $0x108;
	s8 =	sld [smem:$0x3FB1]  }
0x2e: {  	s3 =	simm.s32 @!p0 $0x1082;
	s9 =	sld [smem:$0x3FB2]  }
0x2f: {  	lr =	sadd.s32 s0, s3;
	s0 =	sld [smem:$0x3FA9]  }
0x30: {  	s3 =	sld [smem:$0x3FAC]  }
0x31: {  	[smem:$0x3FB5] =	sst s10  }
0x32: {  	s10 =	sld [smem:$0x3FB3];
	_ =	sdelay $0x3  }
0x33: {  	p0 =	seq.s32 s10, $0x1;
	s10 =	sld [smem:$0x3FB5];
	_ =	sdelay $0x3  }
0x34: {  	[smem:$0x3FB5] =	sst s10  }
0x35: {  	s10 =	sld [smem:$0x3FB4];
	_ =	sdelay $0x3  }
0x36: {  	p1 =	seq.s32 s10, $0x1;
	s10 =	sld [smem:$0x3FB5];
	_ =	sdelay $0x3  }
0x37: {  	[smem:$0x3FB5] =	sst s10  }
0x38: {  	s10 =	sld [smem:$0x3FB6]  }
0x39: {  	_ = 	snop;
	(pc) =	sbr.ind lr, $3  }
0x3a: {  	_ = 	snop  }
0x3b: {  	_ = 	snop  }
0x3c: {  	p2 =	seq.s32 s10, $0x1;
	s10 =	sld [smem:$0x3FB5]  }
0x3d: {  	_ =	shalt  }
0x3e: {  	_ =	shalt  }
0x3f: {  	_ =	shalt  }
0x40: {  	_ =	shalt  }
0x41: {  	_ =	shalt  }
0x42: {  	_ =	shalt  }
0x43: {  	_ =	shalt  }
0x44: {  	_ =	shalt  }
0x45: {  	_ =	shalt  }
0x46: {  	_ =	shalt  }
0x47: {  	_ =	shalt  }
0x48: {  	_ =	shalt  }
0x49: {  	_ =	shalt  }
0x4a: {  	_ =	shalt  }
0x4b: {  	_ =	shalt  }
0x4c: {  	_ =	shalt  }
0x4d: {  	_ =	shalt  }
0x4e: {  	_ =	shalt  }
0x4f: {  	_ =	shalt  }
0x50: {  	_ =	shalt  }
0x51: {  	_ =	shalt  }
0x52: {  	_ =	shalt  }
0x53: {  	_ =	shalt  }
0x54: {  	_ =	shalt  }
0x55: {  	_ =	shalt  }
0x56: {  	_ =	shalt  }
0x57: {  	_ =	shalt  }
0x58: {  	_ =	shalt  }
0x59: {  	_ =	shalt  }
0x5a: {  	_ =	shalt  }
0x5b: {  	_ =	shalt  }
0x5c: {  	_ =	shalt  }
0x5d: {  	_ =	shalt  }
0x5e: {  	_ =	shalt  }
0x5f: {  	_ =	shalt  }
0x60: {  	_ =	shalt  }
0x61: {  	_ =	shalt  }
0x62: {  	_ =	shalt  }
0x63: {  	_ =	shalt  }
0x64: {  	_ =	shalt  }
0x65: {  	_ =	shalt  }
0x66: {  	_ =	shalt  }
0x67: {  	_ =	shalt  }
0x68: {  	_ =	shalt  }
0x69: {  	_ =	shalt  }
0x6a: {  	_ =	shalt  }
0x6b: {  	_ =	shalt  }
0x6c: {  	_ =	shalt  }
0x6d: {  	_ =	shalt  }
0x6e: {  	_ =	shalt  }
0x6f: {  	_ =	shalt  }
0x70: {  	_ =	shalt  }
0x71: {  	_ =	shalt  }
0x72: {  	_ =	shalt  }
0x73: {  	_ =	shalt  }
0x74: {  	_ =	shalt  }
0x75: {  	_ =	shalt  }
0x76: {  	_ =	shalt  }
0x77: {  	_ =	shalt  }
0x78: {  	_ =	shalt  }
0x79: {  	_ =	shalt  }
0x7a: {  	_ =	shalt  }
0x7b: {  	_ =	shalt  }
0x7c: {  	_ =	shalt  }
0x7d: {  	_ =	shalt  }
0x7e: {  	_ =	shalt  }
0x7f: {  	_ =	shalt  }
0x80: {  	_ =	shalt  }
0x81: {  	_ =	shalt  }
0x82: {  	_ =	shalt  }
0x83: {  	_ =	shalt  }
0x84: {  	_ =	shalt  }
0x85: {  	_ =	shalt  }
0x86: {  	_ =	shalt  }
0x87: {  	_ =	shalt  }
.Lfunc_end0:
.L_simem_size_0:
called_computation.1_lowered:
.L_overlay_start_0:
0x88: {  	s2 =	sld [smem:$0x3FD9]  }
0x89: {  	s3 =	sld [smem:$0x3FFE];
	_ =	sdelay $0x1  }
0x8a: {  	s1 =	srdreg.scid  }
0x8b: {  	s0 =	sand.u32 $0x1, s1  }
0x8c: {  	s17 =	sshll.u32 s0, $0xA;
	s2 =	sadd.s32 s3, s2  }
0x8d: {  	s2 =	sadd.s32 s2, s17  }
0x8e: {  	[smem:$0x3FC1] =	sst s2  }
0x8f: {  	_ = 	snop  }
0x90: {  	(tm) =	ssettm $0x1  }
0x91: {  	s18 =	sld [smem:$0x3FFB];
	_ =	sdelay $0x3  }
0x92: {  	_ =	strace s18  }
0x93: {  	s2 =	sld [smem:$0x3FFC];
	_ =	sdelay $0x3  }
0x94: {  	_ =	strace s2  }
0x95: {  	s2 =	sld [smem:$0x3FFD];
	_ =	sdelay $0x3  }
0x96: {  	_ =	strace s2  }
0x97: {  	_ =	strace $0x8FFFFFFF  }
0x98: {  	s19 =	sld [smem:$0x3FDB];
	_ =	sdelay $0x1  }
0x99: {  	s20 =	simm.s32 $_scs_section_size  }
0x9a: {  	s4 =	simm.s32 $_size__tile_overlayer_lowered;
	s5 =	simm.s32 $_tile_overlayer_lowered  }
0x9b: {  	s6 =	simm.s32 $0x1BFF;
	s21 =	sshll.u32 s5, $0x1;
	s3 =	sadd.s32 s20, s19  }
0x9c: {  	s22 =	simm.s32 $0x0;
	s4 =	sshll.u32 s4, $0x1;
	s5 =	sadd.s32 s21, s3  }
0x9d: {  	[timem:s22], [sflag:s6] =	dma.local [hbm:s5], s4  }
0x9e: {  	_ =	swait.ge [sflag:s6], s4  }
0x9f: {  	s4 =	ssub.s32 $0x0, s4;
	[sflag:s6] =	ssyncset.done $0x0  }
0xa0: {  	[sflag:s6] =	ssyncadd.s32 s4;
	_ =	sdelay $0x1  }
0xa1: {  	s23 =	simm.s32 $0x1B8B  }
0xa2: {  	_ =	swait.ge [sflag:s23], $0x1  }
0xa3: {  	[sflag:s23] =	ssyncset.done $0x0  }
0xa4: {  	[sflag:s23] =	ssyncadd.s32 $0xFFFFFFFF  }
0xa5: {  	s4 =	sld [smem:$0x0]  }
0xa6: {  	s5 =	sand.u32 $0xFFFFFFFE, s1  }
0xa7: {  	p0 =	sne.s32 s1, s5  }
0xa8: {  	s5 =	sshll.u32 @p0 s5, $0xE  }
0xa9: {  	s5 =	sadd.s32 @p0 $0x11B8D, s5;
	s6 =	sshll.u32 @p0 s4, $0x11  }
0xaa: {  	s5 =	sor.u32 @p0 s6, s5  }
0xab: {  	[sflag:s5] =	ssyncadd.remote.s32 @p0 $0x1;
	_ =	sdelay $0x1  }
0xac: {  	s5 =	simm.s32 @p0 $0x1B8D  }
0xad: {  	_ =	swait.eq @p0 [sflag:s5], $0x1  }
0xae: {  	[sflag:s5] =	ssyncadd.s32 @p0 $0xFFFFFFFF  }
0xaf: {  	s6 =	sshll.u32 @!p0 s1, $0xE  }
0xb0: {  	s6 =	sor.u32 @!p0 $0x4000, s6;
	s5 =	simm.s32 @!p0 $0x1B8D  }
0xb1: {  	s4 =	sshll.u32 @!p0 s4, $0x11;
	s6 =	sadd.s32 @!p0 $0x11B8D, s6;
	_ =	swait.eq @!p0 [sflag:s5], $0x1  }
0xb2: {  	s4 =	sor.u32 @!p0 s4, s6;
	[sflag:s5] =	ssyncadd.s32 @!p0 $0xFFFFFFFF  }
0xb3: {  	s25 =	simm.s32 $0x1B8E;
	s24 =	sld [smem:$0x3FFE];
	[sflag:s4] =	ssyncadd.remote.s32 @!p0 $0x1  }
0xb4: {  	s26 =	simm.s32 $execute0_lowered;
	[smem:$0x3FD2] =	sst s25  }
0xb5: {  	s5 =	sshll.u32 s26, $0x1;
	_ =	strace $0x80000049;
	[dreg:$0x1] =	wrdreg $0xFFFFFFFF  }
0xb6: {  	s28 =	simm.s32 $_size_execute0_lowered;
	s3 =	sadd.s32 s3, s5;
	[dreg:$0x0] =	wrdreg $0x0  }
0xb7: {  	s5 =	sshll.u32 s28, $0x1;
	[dreg:$0x2] =	wrdreg s3  }
0xb8: {  	[dreg:$0x3] =	wrdreg s5  }
0xb9: {  	[dreg:$0x4] =	wrdreg $0xC0  }
0xba: {  	_ =	task [dreg:s22], $0x5FFFF  }
0xbb: {  	[dreg:$0x1] =	wrdreg $0xFFFFFFFF  }
0xbc: {  	[dreg:$0x0] =	wrdreg $0x60  }
0xbd: {  	[dreg:$0x2] =	wrdreg s24  }
0xbe: {  	[dreg:$0x3] =	wrdreg $0xA  }
0xbf: {  	_ =	task.clear_ibuf [dreg:s22], $0x4FFFF;
	_ =	strace $0x90000049  }
0xc0: {  	s29 =	simm.s32 $0xA;
	_ =	strace $0x8000004B  }
0xc1: {  	_ =	swait.ge [sflag:s29], $0x1  }
0xc2: {  	[sflag:s29] =	ssyncadd.s32 $0xFFFFFFFF  }
0xc3: {  	_ =	strace $0x9000004B  }
0xc4: {  	_ =	sfence  }
0xc5: {  	s30 =	sld [smem:$0x0];
	_ =	sdelay $0x2  }
0xc6: {  	s31 =	sshll.u32 s1, $0xD;
	s1 =	sshrl.u32 s1, $0x2  }
0xc7: {  	s4 =	sand.u32 $0x4000, s31;
	s1 =	sadd.s32 s1, s30  }
0xc8: {  	s0 =	sor.u32 s4, s0;
	s1 =	sshll.u32 s1, $0x11  }
0xc9: {  	s0 =	sor.u32 s1, s0  }
0xca: {  	s0 =	sadd.s32 $0x8F2B, s0  }
0xcb: {  	[sflag:s0] =	ssyncadd.remote.s32 $0x1  }
0xcc: {  	_ =	sfence.sel $0xFFFF  }
0xcd: {  	[dreg:$0x0] =	wrdreg $0xFFFFFFFF;
	(pc) =	sbr.abs _section_cstart, $3  }
0xce: {  	[dreg:$0x1] =	wrdreg $0xFFFFFFFF  }
0xcf: {  	_ =	task.clear_ibuf [dreg:s22], $0x2FFFF;
	_ =	strace $0x9FFFFFFF  }
0xd0: {  	(tm) =	ssettm $0x7FFFFFFF  }
0xd1: {  	_ =	shalt  }
tec
execute0_lowered:
.L_overlay_start_1:
0x0: {  	(tag) =	ssettag $0x1  }
0x1: {  	s4 =	rddreg [dreg:$0x0]  }
0x2: {  	s0 =	rddreg [dreg:$0x1]  }
0x3: {  	s2 =	simm.s32 $0x0;
	s3 =	srdreg.scid;
	s1 =	stileid.u32  }
0x4: {  	s9 =	simm.s32 $0x100;
	s10 =	simm.s32 $0x400;
	s11 =	simm.s32 $0x600  }
0x5: {  	s12 =	simm.s32 $0x1;
	s13 =	simm.s32 $0x500;
	s14 =	simm.s32 $0x0  }
0x6: {  	[smem:$0x7FF] =	sst s2;
	s5 =	sand.u32 $0x1, s3;
	s6 =	sshll.u32 s1, $0x1  }
0x7: {  	s3 =	sadd.s32 $0x498000, s4;
	_ =	strace $0x8000004A;
	s6 =	sor.u32 s5, s6  }
0x8: {  	s5 =	ssub.s32 $0x2, s5;
	s7 =	sshll.u32 s6, $0x7;
	s6 =	sshll.u32 s6, $0xD  }
0x9: {  	s31 =	sshrl.u32 s5, $0x1;
	s7 =	sadd.s32 s7, s4;
	s6 =	sadd.s32 s6, s4  }
0xa: {  	v0 =	vlaneseq.u32;
	s8 =	ssub.s32 s5, s31;
	s4 =	sadd.s32 $0x3200, s7;
	s5 =	sadd.s32 $0x44200, s6  }
0xb: {  	v0 =	vmul.u32 $0x2, v0;
	s6 =	sadd.s32 $0x45200, s6;
	s7 =	smax.u32 s8, $0x1;
	s8 =	simm.s32 $0x2  }
.LBB2_1:
0xc: {  	v1 =	vmov s2  }
0xd: {  	v1 =	vshll.u32 v1, $0x1  }
0xe: {  	v1 =	vor.u32 v0, v1  }
0xf: {  	v1 =	vor.u32 $0x1, v1  }
0x10: {  	[tilespmem:s2], [sflag:$0x2] =	stream.linear.gather [hbm4b:s4+s2], $0x400, $0x38;
	[tilespmem:$0x8600] =	vst v63  }
0x11: {  	_ =	swait.ge [sflag:s8], $0x400  }
0x12: {  	[sflag:s8] =	ssyncset.done $0x0  }
0x13: {  	s15 =	simm.s32 $0x10;
	[sflag:s8] =	ssyncadd.s32 $0xFFFFFC00  }
0x14: {  	v3 =	vld.idx.msk [tilespmem:v1+s2+$0x0], $0xffff;
	v1 =	vmov s15  }
0x15: {  	v1 =	vshll.u32 v1, $0x1  }
0x16: {  	v1 =	vor.u32 v0, v1  }
0x17: {  	v1 =	vor.u32 $0x1, v1;
	_ =	sdelay $0x2  }
0x18: {  	s31 =	simm.s32 $0x20  }
0x19: {  	s16 =	simm.s32 $0x30;
	v2 =	vmov s31;
	s15 =	simm.s32 $0x400;
	[tilespmem:s10+$0x0] =	vst v3  }
.LBB2_2:
0x1a: {  	p0 =	sne.s32 s16, $0x1F0;
	v2 =	vshll.u32 v2, $0x1;
	v3 =	vld.idx.msk [tilespmem:v1+s2+$0x0], $0xffff  }
0x1b: {  	v1 =	vor.u32 v0, v2  }
.Ltmp0:
0x1c: {  	v1 =	vor.u32 $0x1, v1;
	(pc) =	sbr.rel @p0 .LBB2_2-.Ltmp0, $3  }
0x1d: {  	_ =	sdelay $0x1  }
0x1e: {  	s15 =	sadd.s32 $0x10, s15  }
0x1f: {  	v2 =	vmov s16;
	s16 =	sadd.s32 $0x10, s16;
	[tilespmem:s15+$0x0] =	vst v3  }
0x20: {  	_ =	sdelay $0x2  }
0x21: {  	v2 =	vshll.u32 v2, $0x1  }
0x22: {  	v1 =	vld.idx.msk [tilespmem:v1+s2+$0x0], $0xffff;
	v2 =	vor.u32 v0, v2  }
0x23: {  	v2 =	vor.u32 $0x1, v2;
	_ =	sdelay $0x2  }
0x24: {  	s15 =	sadd.s32 $0x10, s15  }
0x25: {  	[tilespmem:s15+$0x0] =	vst v1  }
0x26: {  	v1 =	vld.idx.msk [tilespmem:v2+s2+$0x0], $0xffff;
	_ =	sdelay $0x3  }
0x27: {  	s15 =	sadd.s32 $0x10, s15  }
0x28: {  	[tilespmem:s15+$0x0] =	vst v1  }
0x29: {  	[tilespmem:s11], [sflag:$0x1] =	stream.indirect.gather [hbm4b:s3+s9], $0x80, s10, s9, $0xb8;
	[tilespmem:$0x8600] =	vst v63  }
0x2a: {  	_ =	swait.ge [sflag:s12], $0x8000  }
0x2b: {  	[sflag:s12] =	ssyncset.done $0x0  }
0x2c: {  	[sflag:s12] =	ssyncadd.s32 $0xFFFF8000  }
0x2d: {  	[hbm4b:s5+s2] =	stream.linear.scatter [tilespmem:s11], [sflag:$0x2], $0x8000, $0x38;
	[tilespmem:$0x8600] =	vst v63  }
0x2e: {  	_ =	swait.ge [sflag:s8], $0x8000  }
0x2f: {  	[sflag:s8] =	ssyncset.done $0x0  }
0x30: {  	[sflag:s8] =	ssyncadd.s32 $0xFFFF8000  }
0x31: {  	[tilespmem:s11], [sflag:$0x1] =	stream.indirect.gather [hbm4b:s3+s9], $0x80, s13, s9, $0xb8;
	[tilespmem:$0x8600] =	vst v63  }
0x32: {  	s14 =	sadd.s32 $0x1, s14;
	_ =	swait.ge [sflag:s12], $0x8000  }
0x33: {  	p0 =	sne.s32 s14, s7;
	[sflag:s12] =	ssyncset.done $0x0  }
.Ltmp1:
0x34: {  	[sflag:s12] =	ssyncadd.s32 $0xFFFF8000;
	(pc) =	sbr.rel @p0 .LBB2_1-.Ltmp1, $4  }
0x35: {  	[hbm4b:s6+s2] =	stream.linear.scatter [tilespmem:s11], [sflag:$0x2], $0x8000, $0x38;
	[tilespmem:$0x8600] =	vst v63  }
0x36: {  	_ =	swait.ge [sflag:s8], $0x8000  }
0x37: {  	[sflag:s8] =	ssyncset.done $0x0  }
0x38: {  	[sflag:s8] =	ssyncadd.s32 $0xFFFF8000  }
0x39: {  	_ =	sfence.sel $0x180000  }
0x3a: {  	[bflag:$0x0] =	sbarrier.arrive $0xFFFF  }
0x3b: {  	p0 =	sne.s32 s1, $0x0;
	_ =	strace $0x9000004A  }
0x3c: {  	s0 =	sadd.s32 @!p0 $0x100000, s0;
	[bflag:$0x2] =	sbarrier.arrive $0xFFFF  }
0x3d: {  	[sflag:s0] =	ssyncadd.tile.s32 @!p0 $0x1;
	_ =	shalt  }
.Lfunc_end2:
_tile_overlayer_lowered:
.L_overlay_start_2:
0x3e: {  	(tag) =	ssettag $0x2  }
0x3f: {  	s0 =	rddreg [dreg:$0x0];
	s2 =	stileid.u32  }
0x40: {  	s1 =	rddreg [dreg:$0x1];
	p0 =	sne.s32 s2, $0x0  }
0x41: {  	s3 =	rddreg [dreg:$0x2];
	[bflag:$0x3] =	sbarrier.arrive $0xFFFF;
	s2 =	simm.s32 @!p0 $0x1C02  }
0x42: {  	[timem:s3], [sflag:s2] =	dma.local @!p0 [hbm:s0], s1  }
0x43: {  	s0 =	simm.s32 @!p0 $0x2  }
0x44: {  	_ =	swait.ge @!p0 [sflag:s0], s1  }
0x45: {  	s1 =	ssub.s32 @!p0 $0x0, s1;
	[sflag:s0] =	ssyncset.done @!p0 $0x0  }
0x46: {  	[sflag:s0] =	ssyncadd.s32 @!p0 s1  }
0x47: {  	[bflag:$0x3] =	sbarrier.arrive $0xFFFF  }
0x48: {  	_ =	shalt  }

</sc_bundles>
